<compile_context>
chip_gen: v7x
topology: tpu7x:2x2x1
jax: 0.10.2.dev20260603
libtpu: 0.0.44.dev20260713+nightly
codegen_flags: <defaults>
</compile_context>

<pallas_src>
import functools
import jax
import jax.numpy as jnp
from jax import lax
from jax.experimental import pallas as pl
from jax.experimental.pallas import tpu as pltpu
from jax.experimental.pallas import tpu_sc as plsc

_N = 10000
_E = 320000
_D = 128
_NE = 4
_NP = 10240
_NTILES = 16
_CH = 88
_NCH = 232
_NCH2 = _NCH // 2
_EPAD = _NTILES * _NCH * _CH
_DCH = 512
_NDCH = 40
_DPAD = _NTILES * _NDCH * _DCH
_BN = 256
_STRIPE = _NP // _NTILES



def _mm2_body(h_ref, w1_ref, w2_ref, b_ref, o1_ref, o2_ref):
    h = h_ref[...].astype(jnp.bfloat16)
    o1_ref[...] = jnp.dot(h, w1_ref[...], preferred_element_type=jnp.float32)
    o2_ref[...] = (jnp.dot(h, w2_ref[...], preferred_element_type=jnp.float32)
                   + b_ref[...])


def _matmul2(h, w1, w2, b):
    din = h.shape[1]
    m1 = w1.shape[1]
    m2 = w2.shape[1]
    return pl.pallas_call(
        _mm2_body,
        grid=(_NP // _BN,),
        in_specs=[
            pl.BlockSpec((_BN, din), lambda i: (i, 0)),
            pl.BlockSpec((din, m1), lambda i: (0, 0)),
            pl.BlockSpec((din, m2), lambda i: (0, 0)),
            pl.BlockSpec((1, m2), lambda i: (0, 0)),
        ],
        out_specs=[
            pl.BlockSpec((_BN, m1), lambda i: (i, 0)),
            pl.BlockSpec((_BN, m2), lambda i: (i, 0)),
        ],
        out_shape=[
            jax.ShapeDtypeStruct((_NP, m1), jnp.float32),
            jax.ShapeDtypeStruct((_NP, m2), jnp.float32),
        ],
    )(h, w1, w2, b.reshape(1, m2))


def _mm2s_body(h_ref, w1_ref, w2_ref, b_ref, o1_ref, o2_ref):
    h = h_ref[...].astype(jnp.bfloat16)
    o1_ref[0] = jnp.dot(h, w1_ref[0], preferred_element_type=jnp.float32)
    o2_ref[0] = (jnp.dot(h, w2_ref[0], preferred_element_type=jnp.float32)
                 + b_ref[0])


def _matmul2_stacked(h, wstack, wsh, bh):
    din = h.shape[1]
    m1 = wstack.shape[2]
    outh = wsh.shape[2]
    return pl.pallas_call(
        _mm2s_body,
        grid=(2, _NP // _BN),
        in_specs=[
            pl.BlockSpec((_BN, din), lambda c, i: (i, 0)),
            pl.BlockSpec((1, din, m1), lambda c, i: (c, 0, 0)),
            pl.BlockSpec((1, din, outh), lambda c, i: (c, 0, 0)),
            pl.BlockSpec((1, 1, outh), lambda c, i: (c, 0, 0)),
        ],
        out_specs=[
            pl.BlockSpec((1, _BN, m1), lambda c, i: (c, i, 0)),
            pl.BlockSpec((1, _BN, outh), lambda c, i: (c, i, 0)),
        ],
        out_shape=[
            jax.ShapeDtypeStruct((2, _NP, m1), jnp.float32),
            jax.ShapeDtypeStruct((2, _NP, outh), jnp.float32),
        ],
    )(h, wstack, wsh, bh)


def _combine_body(mode, has_res, refs):
    if has_res:
        agg_ref, deg_ref, hs_ref, res_ref, o_ref = refs
    else:
        agg_ref, deg_ref, hs_ref, o_ref = refs
    d2 = deg_ref[...]
    rdeg = 1.0 / jnp.maximum(d2[0:1, :] + d2[1:2, :], 1.0)
    rdeg = rdeg.reshape(_BN, 1)
    if mode == "split":
        a = (agg_ref[0] + agg_ref[1]) * rdeg + hs_ref[...]
        o = jnp.maximum(a, 0.0)
        if has_res:
            o = o + res_ref[...]
        o_ref[...] = o
    else:
        outh = agg_ref.shape[2]
        o0 = jnp.maximum(agg_ref[0] * rdeg + hs_ref[0], 0.0)
        o1 = jnp.maximum(agg_ref[1] * rdeg + hs_ref[1], 0.0)
        if has_res:
            o0 = o0 + res_ref[:, :outh]
            o1 = o1 + res_ref[:, outh:]
        o_ref[:, :outh] = o0
        o_ref[:, outh:] = o1


def _combine(mode, agg, deg, hs, res):
    outh = agg.shape[2]
    if mode == "split":
        out = hs.shape[1]
        hs_spec = pl.BlockSpec((_BN, out), lambda i: (i, 0))
    else:
        out = 2 * outh
        hs_spec = pl.BlockSpec((2, _BN, outh), lambda i: (0, i, 0))
    specs = [
        pl.BlockSpec((2, _BN, outh), lambda i: (0, i, 0)),
        pl.BlockSpec((2, _BN), lambda i: (0, i)),
        hs_spec,
    ]
    args = [agg, deg, hs]
    if res is not None:
        specs.append(pl.BlockSpec((_BN, out), lambda i: (i, 0)))
        args.append(res)
    body = functools.partial(_combine_body, mode, res is not None)
    return pl.pallas_call(
        lambda *refs: body(refs),
        grid=(_NP // _BN,),
        in_specs=specs,
        out_specs=pl.BlockSpec((_BN, out), lambda i: (i, 0)),
        out_shape=jax.ShapeDtypeStruct((_NP, out), jnp.float32),
    )(*args)



_MESH = plsc.VectorSubcoreMesh(core_axis_name="c", subcore_axis_name="s")


@functools.partial(jax.jit, static_argnums=(4,))
def _sc_scatter(ht, gidx, sdst, zeros, split):
    nch = _NCH2 if split else _NCH

    def body(ht_hbm, gidx_hbm, sdst_hbm, zeros_hbm, out_hbm, *scr):
        gis = scr[0:4]
        sds = scr[4:8]
        rows = scr[8:12]
        agg_s = scr[12]
        sis = scr[13:17]
        sgs = scr[17:21]
        sss = scr[21:25]
        cid = lax.axis_index("c")
        sid = lax.axis_index("s")
        row0 = sid * _STRIPE
        pltpu.sync_copy(zeros_hbm.at[pl.ds(row0, _STRIPE)],
                        agg_s.at[pl.ds(row0, _STRIPE)])
        plsc.subcore_barrier()
        if split:
            table = ht_hbm
            base = cid * _NCH2
        else:
            table = ht_hbm.at[cid]
            base = 0

        def idx_start(j, s):
            pltpu.async_copy(gidx_hbm.at[sid, base + j], gis[s], sis[s])
            pltpu.async_copy(sdst_hbm.at[sid, base + j], sds[s], sis[s])

        def idx_wait(j, s):
            pltpu.make_async_copy(gidx_hbm.at[sid, base + j], gis[s],
                                  sis[s]).wait()
            pltpu.make_async_copy(sdst_hbm.at[sid, base + j], sds[s],
                                  sis[s]).wait()

        def gather_start(s):
            pltpu.async_copy(table.at[gis[s]], rows[s], sgs[s])

        def gather_wait(s):
            pltpu.make_async_copy(table.at[gis[s]], rows[s], sgs[s]).wait()

        def scat_start(s):
            pltpu.async_copy(rows[s], agg_s.at[sds[s]], sss[s], add=True)

        def scat_drain(s):
            pltpu.make_async_copy(rows[s], agg_s.at[sds[s]], sss[s]).wait()

        def emit(t, u, prefetch):
            idx_wait(t, u)
            gather_start(u)
            gather_wait((u - 1) % 4)
            scat_start((u - 1) % 4)
            scat_drain((u - 2) % 4)
            if prefetch:
                idx_start(t + 2, (u - 2) % 4)

        idx_start(0, 0)
        idx_start(1, 1)
        idx_wait(0, 0)
        gather_start(0)
        idx_start(2, 2)
        idx_wait(1, 1)
        gather_start(1)
        gather_wait(0)
        scat_start(0)
        idx_start(3, 3)

        def quad(k, carry):
            t0 = 2 + k * 4
            emit(t0, 2, True)
            emit(t0 + 1, 3, True)
            emit(t0 + 2, 0, True)
            emit(t0 + 3, 1, True)
            return carry

        lax.fori_loop(0, (nch - 4) // 4, quad, 0)
        emit(nch - 2, 2, False)
        emit(nch - 1, 3, False)
        gather_wait(3)
        scat_start(3)
        scat_drain(2)
        scat_drain(3)
        plsc.subcore_barrier()
        pltpu.sync_copy(agg_s.at[pl.ds(row0, _STRIPE)],
                        out_hbm.at[cid, pl.ds(row0, _STRIPE)])

    return pl.kernel(
        body,
        out_type=jax.ShapeDtypeStruct((2, _NP, 128), jnp.float32),
        mesh=_MESH,
        scratch_types=(
            [pltpu.VMEM((_CH,), jnp.int32)] * 8
            + [pltpu.VMEM((_CH, 128), jnp.float32)] * 4
            + [pltpu.VMEM_SHARED((_NP, 128), jnp.float32)]
            + [pltpu.SemaphoreType.DMA] * 12
        ),
    )(ht, gidx, sdst, zeros)


@jax.jit
def _sc_degree(sdst, ones, zeros1):

    def body(sdst_hbm, ones_hbm, zeros_hbm, out_hbm, sdst_v, ones_v, deg_s, sem):
        cid = lax.axis_index("c")
        sid = lax.axis_index("s")
        pltpu.sync_copy(ones_hbm, ones_v)
        row0 = sid * _STRIPE
        pltpu.sync_copy(zeros_hbm.at[pl.ds(row0, _STRIPE)],
                        deg_s.at[pl.ds(row0, _STRIPE)])
        plsc.subcore_barrier()
        base = cid * (_NDCH // 2)

        def step(j, carry):
            pltpu.sync_copy(sdst_hbm.at[sid, base + j], sdst_v)
            pltpu.sync_copy(ones_v, deg_s.at[sdst_v], add=True)
            return carry

        lax.fori_loop(0, _NDCH // 2, step, 0)
        plsc.subcore_barrier()
        pltpu.sync_copy(deg_s.at[pl.ds(row0, _STRIPE)],
                        out_hbm.at[cid, pl.ds(row0, _STRIPE)])

    return pl.kernel(
        body,
        out_type=jax.ShapeDtypeStruct((2, _NP), jnp.float32),
        mesh=_MESH,
        scratch_types=[
            pltpu.VMEM((_DCH,), jnp.int32),
            pltpu.VMEM((_DCH,), jnp.float32),
            pltpu.VMEM_SHARED((_NP,), jnp.float32),
            pltpu.SemaphoreType.DMA,
        ],
    )(sdst, ones, zeros1)



def _wstack(w):
    ne, din, out = w.shape
    outh = out // 2
    return (w.reshape(ne, din, 2, outh)
             .transpose(2, 1, 0, 3)
             .reshape(2, din, ne * outh))


def _wflat(w):
    ne, din, out = w.shape
    return w.transpose(1, 0, 2).reshape(din, ne * out)


def _block(h, w, ws, b, gidx, sdst, deg, zeros, res):
    out = w.shape[2]
    if out == 128:
        ht, hs = _matmul2(h, _wflat(w).astype(jnp.bfloat16),
                          ws.astype(jnp.bfloat16), b)
        ht = ht.reshape(_NP * _NE, 128)
        agg = _sc_scatter(ht, gidx, sdst, zeros, True)
        return _combine("split", agg, deg, hs, res)
    else:
        outh = out // 2
        din = ws.shape[0]
        wsh = ws.reshape(din, 2, outh).transpose(1, 0, 2)
        bh = b.reshape(2, 1, outh)
        ht, hs2 = _matmul2_stacked(h, _wstack(w).astype(jnp.bfloat16),
                                   wsh.astype(jnp.bfloat16), bh)
        ht = ht.reshape(2, _NP * _NE, 128)
        agg = _sc_scatter(ht, gidx, sdst, zeros, False)
        return _combine("cols", agg, deg, hs2, res)


def kernel(x, edge_index, edge_type, W1, Ws1, b1, W2, Ws2, b2,
           W3, Ws3, b3, W4, Ws4, b4, W5, Ws5, b5):
    src = edge_index[0]
    dst = edge_index[1]
    pad = _EPAD - _E
    fake_g = (jnp.arange(pad, dtype=jnp.int32) * 8) % (_N * _NE)
    fake_d = _N + jnp.arange(pad, dtype=jnp.int32) % (_NP - _N)
    gidx = jnp.concatenate(
        [src * _NE + edge_type, fake_g]
    ).reshape(_NTILES, _NCH, _CH)
    sdst = jnp.concatenate(
        [dst, fake_d]
    ).reshape(_NTILES, _NCH, _CH)

    pad_d = _DPAD - _E
    sdst_d = jnp.concatenate(
        [dst, _N + jnp.arange(pad_d, dtype=jnp.int32) % (_NP - _N)]
    ).reshape(_NTILES, _NDCH, _DCH)

    zeros = jnp.zeros((_NP, 128), jnp.float32)
    zeros1 = jnp.zeros((_NP,), jnp.float32)
    ones = jnp.ones((_DCH,), jnp.float32)
    deg = _sc_degree(sdst_d, ones, zeros1)

    hp = jnp.pad(x, ((0, _NP - _N), (0, 0)))
    h1 = _block(hp, W1, Ws1, b1, gidx, sdst, deg, zeros, hp)
    h2 = _block(h1, W2, Ws2, b2, gidx, sdst, deg, zeros, h1)
    hc = jnp.concatenate([hp, h2], axis=1)
    h3 = _block(hc, W3, Ws3, b3, gidx, sdst, deg, zeros, hc)
    h4 = _block(h3, W4, Ws4, b4, gidx, sdst, deg, zeros, h3)
    hc2 = jnp.concatenate([h2, h4], axis=1)
    h5 = _block(hc2, W5, Ws5, b5, gidx, sdst, deg, zeros, None)
    return h5[:_N]

# --- scband reference (transcript-rebuilt; emitter-appended) ---
"""Pipeline reference for scband-res-gcnprocess-49701361549539 (READ-ONLY COPY).

The authoritative reference and input builder live on the scoring server;
editing this copy changes nothing except your own understanding.
"""

import jax, jax.numpy as jnp
import numpy as np

N = 10000
E = 320000
D = 128
NE = 4


def _make_w(key, shape, fan_in):
    return jax.random.normal(key, shape, dtype=jnp.float32) * (1.0 / np.sqrt(fan_in))


def setup_inputs(seed: int = 0):
    key = jax.random.key(seed)
    ks = jax.random.split(key, 32)
    inp = {}
    inp['x'] = jax.random.normal(ks[0], (N, D), dtype=jnp.float32)
    inp['edge_index'] = jax.random.randint(ks[1], (2, E), 0, N, dtype=jnp.int32)
    inp['edge_type'] = jax.random.randint(ks[2], (E,), 0, NE, dtype=jnp.int32)
    dims = [(D, D), (D, D), (2 * D, 2 * D), (2 * D, 2 * D), (3 * D, D)]
    for i, (di, do) in enumerate(dims):
        inp[f'W{i+1}'] = _make_w(ks[3 + 3 * i], (NE, di, do), di)
        inp[f'Ws{i+1}'] = _make_w(ks[4 + 3 * i], (di, do), di)
        inp[f'b{i+1}'] = jnp.zeros((do,), dtype=jnp.float32)
    return inp


def gcn_block(h, src, dst, etype, W, Ws, b):
    # relational GCN block with mean aggregation, self-loop and residual
    n = h.shape[0]
    out_dim = W.shape[2]
    ht = jnp.einsum('nd,edf->nef', h, W)          # [N, NE, out]
    msg = ht[src, etype]                            # gather per-edge messages [E, out]
    agg = jnp.zeros((n, out_dim), h.dtype).at[dst].add(msg)  # scatter-add by dst
    deg = jnp.zeros((n,), h.dtype).at[dst].add(1.0)
    out = agg / jnp.maximum(deg, 1.0)[:, None] + h @ Ws + b
    out = jax.nn.relu(out)
    if h.shape[1] == out_dim:
        out = out + h
    return out


def reference(x, edge_index, edge_type, W1, Ws1, b1, W2, Ws2, b2, W3, Ws3, b3, W4, Ws4, b4, W5, Ws5, b5):
    src = edge_index[0]
    dst = edge_index[1]
    enc = x
    h = gcn_block(x, src, dst, edge_type, W1, Ws1, b1)
    h = gcn_block(h, src, dst, edge_type, W2, Ws2, b2)
    enc2 = h
    h = jnp.concatenate([enc, h], axis=-1)
    h = gcn_block(h, src, dst, edge_type, W3, Ws3, b3)
    h = gcn_block(h, src, dst, edge_type, W4, Ws4, b4)
    h = jnp.concatenate([enc2, h], axis=-1)
    h = gcn_block(h, src, dst, edge_type, W5, Ws5, b5)
    return h

if __name__ == "__main__":
    import jax
    _d = setup_inputs()
    print(jax.jit(kernel)(*tuple(_d.values())))

</pallas_src>

<mosaic_0001>
#map = affine_map<(d0, d1) -> (0, 0, 0)>
#map1 = affine_map<(d0, d1) -> (0)>
#map2 = affine_map<(d0, d1) -> (0, 0)>
module attributes {stable_mosaic.version = 14 : i64} {
  func.func @body(%arg0: i32, %arg1: i32, %arg2: memref<16x40x512xi32, #tpu.memory_space<hbm>>, %arg3: memref<512xf32, #tpu.memory_space<hbm>>, %arg4: memref<10240xf32, #tpu.memory_space<hbm>>, %arg5: memref<2x10240xf32, #tpu.memory_space<hbm>>, %arg6: memref<512xi32, #tpu.memory_space<vmem>>, %arg7: memref<512xf32, #tpu.memory_space<vmem>>, %arg8: memref<10240xf32, #tpu.memory_space<vmem_shared>>, %arg9: memref<!tpu.dma_semaphore, #tpu.memory_space<semaphore_mem>>) attributes {dimension_semantics = [#tpu.dimension_semantics<core_parallel>, #tpu.dimension_semantics<subcore_parallel>], iteration_bounds = array<i64: 2, 16>, scalar_prefetch = 0 : i64, scratch_operands = 4 : i64, tpu.core_type = #tpu.core_type<sc_vector_subcore>, window_params = [{transform_indices = #map}, {transform_indices = #map1}, {transform_indices = #map1}, {transform_indices = #map2}]} {
    "tpu.region"() ({
      %run_scoped3A = tpu.sem_alloc : memref<!tpu.dma_semaphore, #tpu.memory_space<semaphore_mem>>
      tpu.enqueue_dma source(%arg3 : memref<512xf32, #tpu.memory_space<hbm>>) target(%arg7 : memref<512xf32, #tpu.memory_space<vmem>>) target_semaphore(%run_scoped3A : memref<!tpu.dma_semaphore, #tpu.memory_space<semaphore_mem>>)
      tpu.wait_dma2 semaphore(%run_scoped3A : memref<!tpu.dma_semaphore, #tpu.memory_space<semaphore_mem>>) src(%arg3 : memref<512xf32, #tpu.memory_space<hbm>>) dst(%arg7 : memref<512xf32, #tpu.memory_space<vmem>>)
      tpu.yield
    }) : () -> ()
    %mul3A = arith.constant 640 : i32
    %mul3A_0 = arith.muli %arg1, %mul3A : i32
    "tpu.region"() ({
      %run_scoped3A = tpu.sem_alloc : memref<!tpu.dma_semaphore, #tpu.memory_space<semaphore_mem>>
      %dma_start3A = tpu.memref_slice %arg8[%mul3A_0] : memref<10240xf32, #tpu.memory_space<vmem_shared>> -> memref<640xf32, #tpu.memory_space<vmem_shared>>
      %dma_start3A_9 = tpu.memref_slice %arg4[%mul3A_0] : memref<10240xf32, #tpu.memory_space<hbm>> -> memref<640xf32, #tpu.memory_space<hbm>>
      tpu.enqueue_dma source(%dma_start3A_9 : memref<640xf32, #tpu.memory_space<hbm>>) target(%dma_start3A : memref<640xf32, #tpu.memory_space<vmem_shared>>) target_semaphore(%run_scoped3A : memref<!tpu.dma_semaphore, #tpu.memory_space<semaphore_mem>>)
      %dma_wait3A = tpu.memref_slice %arg8[%mul3A_0] : memref<10240xf32, #tpu.memory_space<vmem_shared>> -> memref<640xf32, #tpu.memory_space<vmem_shared>>
      %dma_wait3A_10 = tpu.memref_slice %arg4[%mul3A_0] : memref<10240xf32, #tpu.memory_space<hbm>> -> memref<640xf32, #tpu.memory_space<hbm>>
      tpu.wait_dma2 semaphore(%run_scoped3A : memref<!tpu.dma_semaphore, #tpu.memory_space<semaphore_mem>>) src(%dma_wait3A_10 : memref<640xf32, #tpu.memory_space<hbm>>) dst(%dma_wait3A : memref<640xf32, #tpu.memory_space<vmem_shared>>)
      tpu.yield
    }) : () -> ()
    %barrier3A = arith.constant 0 : index
    tpu.barrier barrier_id(%barrier3A)
    %mul3A_1 = arith.constant 20 : i32
    %mul3A_2 = arith.muli %arg0, %mul3A_1 : i32
    %scan3A = arith.constant 0 : i32
    %scan3A_3 = arith.constant 0 : i32
    %scan3A_4 = arith.constant 20 : i32
    %scan3A_5 = arith.addi %scan3A_3, %scan3A_4 : i32
    %scan3A_6 = arith.constant 1 : i32
    scf.for %scan3A_9 = %scan3A_3 to %scan3A_5 step %scan3A_6  : i32 {
      %add3A = arith.addi %mul3A_2, %scan3A_9 : i32
      "tpu.region"() ({
        %run_scoped3A = tpu.sem_alloc : memref<!tpu.dma_semaphore, #tpu.memory_space<semaphore_mem>>
        %dma_start3A = arith.constant 0 : i32
        %dma_start3A_10 = tpu.memref_slice %arg2[%arg1, %add3A, %dma_start3A] : memref<16x40x512xi32, #tpu.memory_space<hbm>> -> memref<1x1x512xi32, #tpu.memory_space<hbm>>
        %dma_start3A_11 = tpu.memref_squeeze %dma_start3A_10 : memref<1x1x512xi32, #tpu.memory_space<hbm>> -> memref<512xi32, #tpu.memory_space<hbm>>
        %dma_start3A_12 = arith.constant 0 : i32
        %dma_start3A_13 = tpu.memref_slice %arg2[%arg1, %add3A, %dma_start3A_12] : memref<16x40x512xi32, #tpu.memory_space<hbm>> -> memref<1x1x512xi32, #tpu.memory_space<hbm>>
        %dma_start3A_14 = tpu.memref_squeeze %dma_start3A_13 : memref<1x1x512xi32, #tpu.memory_space<hbm>> -> memref<512xi32, #tpu.memory_space<hbm>>
        tpu.enqueue_dma source(%dma_start3A_14 : memref<512xi32, #tpu.memory_space<hbm>>) target(%arg6 : memref<512xi32, #tpu.memory_space<vmem>>) target_semaphore(%run_scoped3A : memref<!tpu.dma_semaphore, #tpu.memory_space<semaphore_mem>>)
        %dma_wait3A = arith.constant 0 : i32
        %dma_wait3A_15 = tpu.memref_slice %arg2[%arg1, %add3A, %dma_wait3A] : memref<16x40x512xi32, #tpu.memory_space<hbm>> -> memref<1x1x512xi32, #tpu.memory_space<hbm>>
        %dma_wait3A_16 = tpu.memref_squeeze %dma_wait3A_15 : memref<1x1x512xi32, #tpu.memory_space<hbm>> -> memref<512xi32, #tpu.memory_space<hbm>>
        %dma_wait3A_17 = arith.constant 0 : i32
        %dma_wait3A_18 = tpu.memref_slice %arg2[%arg1, %add3A, %dma_wait3A_17] : memref<16x40x512xi32, #tpu.memory_space<hbm>> -> memref<1x1x512xi32, #tpu.memory_space<hbm>>
        %dma_wait3A_19 = tpu.memref_squeeze %dma_wait3A_18 : memref<1x1x512xi32, #tpu.memory_space<hbm>> -> memref<512xi32, #tpu.memory_space<hbm>>
        tpu.wait_dma2 semaphore(%run_scoped3A : memref<!tpu.dma_semaphore, #tpu.memory_space<semaphore_mem>>) src(%dma_wait3A_19 : memref<512xi32, #tpu.memory_space<hbm>>) dst(%arg6 : memref<512xi32, #tpu.memory_space<vmem>>)
        tpu.yield
      }) : () -> ()
      "tpu.region"() ({
        %run_scoped3A = tpu.sem_alloc : memref<!tpu.dma_semaphore, #tpu.memory_space<semaphore_mem>>
        %dma_start3A = arith.constant 0 : i32
        %dma_start3A_10 = tpu.memref_slice %arg8[%dma_start3A] : memref<10240xf32, #tpu.memory_space<vmem_shared>> -> memref<10240xf32, #tpu.memory_space<vmem_shared>>
        tpu.enqueue_indirect_dma source(%arg7 : memref<512xf32, #tpu.memory_space<vmem>>) target(%dma_start3A_10 : memref<10240xf32, #tpu.memory_space<vmem_shared>>) offsets(%arg6 : memref<512xi32, #tpu.memory_space<vmem>>) semaphore(%run_scoped3A : memref<!tpu.dma_semaphore, #tpu.memory_space<semaphore_mem>>) {add = true}
        %dma_wait3A = arith.constant 0 : i32
        %dma_wait3A_11 = tpu.memref_slice %arg8[%dma_wait3A] : memref<10240xf32, #tpu.memory_space<vmem_shared>> -> memref<10240xf32, #tpu.memory_space<vmem_shared>>
        tpu.wait_indirect_dma semaphore(%run_scoped3A : memref<!tpu.dma_semaphore, #tpu.memory_space<semaphore_mem>>) src(%arg7 : memref<512xf32, #tpu.memory_space<vmem>>) dst(%dma_wait3A_11 : memref<10240xf32, #tpu.memory_space<vmem_shared>>)
        tpu.yield
      }) : () -> ()
    }
    %scan3A_7 = arith.constant 20 : i32
    %barrier3A_8 = arith.constant 0 : index
    tpu.barrier barrier_id(%barrier3A_8)
    "tpu.region"() ({
      %run_scoped3A = tpu.sem_alloc : memref<!tpu.dma_semaphore, #tpu.memory_space<semaphore_mem>>
      %dma_start3A = tpu.memref_slice %arg5[%arg0, %mul3A_0] : memref<2x10240xf32, #tpu.memory_space<hbm>> -> memref<1x640xf32, #tpu.memory_space<hbm>>
      %dma_start3A_9 = tpu.memref_squeeze %dma_start3A : memref<1x640xf32, #tpu.memory_space<hbm>> -> memref<640xf32, #tpu.memory_space<hbm>>
      %dma_start3A_10 = tpu.memref_slice %arg8[%mul3A_0] : memref<10240xf32, #tpu.memory_space<vmem_shared>> -> memref<640xf32, #tpu.memory_space<vmem_shared>>
      tpu.enqueue_dma source(%dma_start3A_10 : memref<640xf32, #tpu.memory_space<vmem_shared>>) target(%dma_start3A_9 : memref<640xf32, #tpu.memory_space<hbm>>) target_semaphore(%run_scoped3A : memref<!tpu.dma_semaphore, #tpu.memory_space<semaphore_mem>>)
      %dma_wait3A = tpu.memref_slice %arg5[%arg0, %mul3A_0] : memref<2x10240xf32, #tpu.memory_space<hbm>> -> memref<1x640xf32, #tpu.memory_space<hbm>>
      %dma_wait3A_11 = tpu.memref_squeeze %dma_wait3A : memref<1x640xf32, #tpu.memory_space<hbm>> -> memref<640xf32, #tpu.memory_space<hbm>>
      %dma_wait3A_12 = tpu.memref_slice %arg8[%mul3A_0] : memref<10240xf32, #tpu.memory_space<vmem_shared>> -> memref<640xf32, #tpu.memory_space<vmem_shared>>
      tpu.wait_dma2 semaphore(%run_scoped3A : memref<!tpu.dma_semaphore, #tpu.memory_space<semaphore_mem>>) src(%dma_wait3A_12 : memref<640xf32, #tpu.memory_space<vmem_shared>>) dst(%dma_wait3A_11 : memref<640xf32, #tpu.memory_space<hbm>>)
      tpu.yield
    }) : () -> ()
    return
  }
}

</mosaic_0001>

<sc_bundles>
// kernel: _sc_degree.3.cloned.1.call-start
scs
__scs_entry_jumppad:
0x0: {  	(pc) =	sbr.rel $0x88, $3  }
0x1: {  	(tag) =	ssettag $0x0;
	lr =	simm.s32 $0x1  }
0x2: {  	[smem:$0x3F9E] =	sst lr;
	_ =	strace $0xD0000000  }
0x3: {  	_ = 	snop  }
0x4: {  	_ = 	snop  }
0x5: {  	_ = 	snop  }
0x6: {  	_ = 	snop  }
0x7: {  	_ = 	snop  }
__scs_overlays_trampoline_lowered:
0x8: {  	[smem:$0x3FAD] =	sst s0  }
0x9: {  	[smem:$0x3FAE] =	sst s1  }
0xa: {  	[smem:$0x3FAF] =	sst s2  }
0xb: {  	[smem:$0x3FB0] =	sst s3  }
0xc: {  	[smem:$0x3FB1] =	sst s4  }
0xd: {  	[smem:$0x3FB2] =	sst s5  }
0xe: {  	[smem:$0x3FB3] =	sst s6  }
0xf: {  	[smem:$0x3FB4] =	sst s7  }
0x10: {  	[smem:$0x3FB5] =	sst s8  }
0x11: {  	[smem:$0x3FB6] =	sst s9;
	s0 =	simm.s32 @!p0 $0x0  }
0x12: {  	s1 =	sld [smem:$0x3F9C];
	s0 =	simm.s32 @p0 $0x1  }
0x13: {  	[smem:$0x3FB7] =	sst s0;
	s0 =	simm.s32 @!p1 $0x0  }
0x14: {  	s2 =	sld [smem:$0x3F9B];
	s0 =	simm.s32 @p1 $0x1  }
0x15: {  	[smem:$0x3FB8] =	sst s0;
	s0 =	simm.s32 @!p2 $0x0  }
0x16: {  	s3 =	sld [smem:$0x3FDB];
	s0 =	simm.s32 @p2 $0x1  }
0x17: {  	s4 =	simm.s32 $0x1BF5;
	[smem:$0x3FBA] =	sst s0  }
0x18: {  	s0 =	sld [smem:$0x3F9D];
	_ =	swait.ge [sflag:s4], $0x0  }
0x19: {  	s7 =	sld [smem:$0x3F9E]  }
0x1a: {  	s8 =	sadd.s32 $0xFFFFE003, lr  }
0x1b: {  	s9 =	sadd.s32 $0xFFFFFEF7, lr;
	s5 =	simm.s32 $0xFFFFFFFF;
	p2 =	slt.u32 s8, $0xFFFFF086  }
0x1c: {  	p1 =	slt.u32 s9, $0xF7A;
	s5 =	simm.s32 @!p2 $0x0  }
0x1d: {  	s5 =	simm.s32 @p1 $0x1;
	p0 =	seq.s32 s7, s2  }
0x1e: {  	s7 =	smul.u32 @!p0 $0xF7A, s2;
	p2 =	seq.s32 @!p0 s5, $0x0  }
0x1f: {  	s9 =	smul.u32 $0xF7A, s1;
	s8 =	simm.s32 @!p0 $0x1BF5;
	p2 =	por !p2, p0  }
0x20: {  	[sflag:s8] =	ssyncset.s32 @!p0 $0xFFFFF086;
	s6 =	sadd.s32 @!p0 s3, s7;
	s7 =	simm.s32 @!p0 $0x108  }
0x21: {  	s3 =	sadd.s32 s3, s9;
	s6 =	sadd.s32 @!p0 $0x88, s6;
	s7 =	simm.s32 @p2 $0x1082  }
0x22: {  	[simem:s7], [sflag:s8] =	dma.local @!p0 [hbm:s6], $0xF7A  }
0x23: {  	s9 =	sor.u32 $0xD0000000, s2;
	s6 =	simm.s32 $0x108;
	_ =	swait.ge @!p0 [sflag:s8], $0x0  }
0x24: {  	s3 =	sadd.s32 $0x88, s3;
	s6 =	simm.s32 @!p1 $0x1082;
	[sflag:s4] =	ssyncset.s32 $0xFFFFF086  }
0x25: {  	[simem:s6], [sflag:s4] =	dma.local [hbm:s3], $0xF7A  }
0x26: {  	[smem:$0x3F9E] =	sst s1;
	(tag) =	ssettag s2;
	_ =	strace s9  }
0x27: {  	s1 =	sld [smem:$0x3FAE]  }
0x28: {  	s2 =	sld [smem:$0x3FAF]  }
0x29: {  	s4 =	sld [smem:$0x3FB1]  }
0x2a: {  	p0 =	seq.s32 s5, $0x0;
	s5 =	sld [smem:$0x3FB2]  }
0x2b: {  	s6 =	sld [smem:$0x3FB3]  }
0x2c: {  	s7 =	sld [smem:$0x3FB4]  }
0x2d: {  	s3 =	simm.s32 $0x108;
	s8 =	sld [smem:$0x3FB5]  }
0x2e: {  	s3 =	simm.s32 @!p0 $0x1082;
	s9 =	sld [smem:$0x3FB6]  }
0x2f: {  	lr =	sadd.s32 s0, s3;
	s0 =	sld [smem:$0x3FAD]  }
0x30: {  	s3 =	sld [smem:$0x3FB0]  }
0x31: {  	[smem:$0x3FB9] =	sst s10  }
0x32: {  	s10 =	sld [smem:$0x3FB7];
	_ =	sdelay $0x3  }
0x33: {  	p0 =	seq.s32 s10, $0x1;
	s10 =	sld [smem:$0x3FB9];
	_ =	sdelay $0x3  }
0x34: {  	[smem:$0x3FB9] =	sst s10  }
0x35: {  	s10 =	sld [smem:$0x3FB8];
	_ =	sdelay $0x3  }
0x36: {  	p1 =	seq.s32 s10, $0x1;
	s10 =	sld [smem:$0x3FB9];
	_ =	sdelay $0x3  }
0x37: {  	[smem:$0x3FB9] =	sst s10  }
0x38: {  	s10 =	sld [smem:$0x3FBA]  }
0x39: {  	_ = 	snop;
	(pc) =	sbr.ind lr, $3  }
0x3a: {  	_ = 	snop  }
0x3b: {  	_ = 	snop  }
0x3c: {  	p2 =	seq.s32 s10, $0x1;
	s10 =	sld [smem:$0x3FB9]  }
0x3d: {  	_ =	shalt  }
0x3e: {  	_ =	shalt  }
0x3f: {  	_ =	shalt  }
0x40: {  	_ =	shalt  }
0x41: {  	_ =	shalt  }
0x42: {  	_ =	shalt  }
0x43: {  	_ =	shalt  }
0x44: {  	_ =	shalt  }
0x45: {  	_ =	shalt  }
0x46: {  	_ =	shalt  }
0x47: {  	_ =	shalt  }
0x48: {  	_ =	shalt  }
0x49: {  	_ =	shalt  }
0x4a: {  	_ =	shalt  }
0x4b: {  	_ =	shalt  }
0x4c: {  	_ =	shalt  }
0x4d: {  	_ =	shalt  }
0x4e: {  	_ =	shalt  }
0x4f: {  	_ =	shalt  }
0x50: {  	_ =	shalt  }
0x51: {  	_ =	shalt  }
0x52: {  	_ =	shalt  }
0x53: {  	_ =	shalt  }
0x54: {  	_ =	shalt  }
0x55: {  	_ =	shalt  }
0x56: {  	_ =	shalt  }
0x57: {  	_ =	shalt  }
0x58: {  	_ =	shalt  }
0x59: {  	_ =	shalt  }
0x5a: {  	_ =	shalt  }
0x5b: {  	_ =	shalt  }
0x5c: {  	_ =	shalt  }
0x5d: {  	_ =	shalt  }
0x5e: {  	_ =	shalt  }
0x5f: {  	_ =	shalt  }
0x60: {  	_ =	shalt  }
0x61: {  	_ =	shalt  }
0x62: {  	_ =	shalt  }
0x63: {  	_ =	shalt  }
0x64: {  	_ =	shalt  }
0x65: {  	_ =	shalt  }
0x66: {  	_ =	shalt  }
0x67: {  	_ =	shalt  }
0x68: {  	_ =	shalt  }
0x69: {  	_ =	shalt  }
0x6a: {  	_ =	shalt  }
0x6b: {  	_ =	shalt  }
0x6c: {  	_ =	shalt  }
0x6d: {  	_ =	shalt  }
0x6e: {  	_ =	shalt  }
0x6f: {  	_ =	shalt  }
0x70: {  	_ =	shalt  }
0x71: {  	_ =	shalt  }
0x72: {  	_ =	shalt  }
0x73: {  	_ =	shalt  }
0x74: {  	_ =	shalt  }
0x75: {  	_ =	shalt  }
0x76: {  	_ =	shalt  }
0x77: {  	_ =	shalt  }
0x78: {  	_ =	shalt  }
0x79: {  	_ =	shalt  }
0x7a: {  	_ =	shalt  }
0x7b: {  	_ =	shalt  }
0x7c: {  	_ =	shalt  }
0x7d: {  	_ =	shalt  }
0x7e: {  	_ =	shalt  }
0x7f: {  	_ =	shalt  }
0x80: {  	_ =	shalt  }
0x81: {  	_ =	shalt  }
0x82: {  	_ =	shalt  }
0x83: {  	_ =	shalt  }
0x84: {  	_ =	shalt  }
0x85: {  	_ =	shalt  }
0x86: {  	_ =	shalt  }
0x87: {  	_ =	shalt  }
.Lfunc_end0:
.L_simem_size_0:
called_computation_lowered:
.L_overlay_start_0:
0x88: {  	s2 =	sld [smem:$0x3FD9]  }
0x89: {  	s3 =	sld [smem:$0x3FFE];
	_ =	sdelay $0x1  }
0x8a: {  	s1 =	srdreg.scid  }
0x8b: {  	s0 =	sand.u32 $0x1, s1  }
0x8c: {  	s18 =	sshll.u32 s0, $0xA;
	s2 =	sadd.s32 s3, s2  }
0x8d: {  	s2 =	sadd.s32 s2, s18  }
0x8e: {  	[smem:$0x3FC5] =	sst s2  }
0x8f: {  	_ = 	snop  }
0x90: {  	s2 =	sld [smem:$0x3FC9]  }
0x91: {  	s19 =	sld [smem:$0x3FC8]  }
0x92: {  	s4 =	sld [smem:$0x3FC7]  }
0x93: {  	s5 =	sld [smem:$0x3FD0];
	(tm) =	ssettm $0x1  }
0x94: {  	s6 =	sld [smem:$0x3FFB];
	_ =	sdelay $0x3  }
0x95: {  	_ =	strace s6  }
0x96: {  	s6 =	sld [smem:$0x3FFC];
	_ =	sdelay $0x3  }
0x97: {  	_ =	strace s6  }
0x98: {  	s6 =	sld [smem:$0x3FFD];
	_ =	sdelay $0x3  }
0x99: {  	_ =	strace s6  }
0x9a: {  	_ =	strace $0x8FFFFFFF  }
0x9b: {  	s20 =	sld [smem:$0x3FDB];
	_ =	sdelay $0x1  }
0x9c: {  	s7 =	simm.s32 $_scs_section_size  }
0x9d: {  	s8 =	simm.s32 $_size__tile_overlayer_lowered;
	s9 =	simm.s32 $_tile_overlayer_lowered  }
0x9e: {  	s23 =	simm.s32 $0x1BFF;
	s22 =	sshll.u32 s9, $0x1;
	s6 =	sadd.s32 s7, s20  }
0x9f: {  	s10 =	simm.s32 $0x0;
	s21 =	sshll.u32 s8, $0x1;
	s8 =	sadd.s32 s22, s6  }
0xa0: {  	[timem:s10], [sflag:s23] =	dma.local [hbm:s8], s21  }
0xa1: {  	_ =	swait.ge [sflag:s23], s21  }
0xa2: {  	s7 =	ssub.s32 $0x0, s21;
	[sflag:s23] =	ssyncset.done $0x0  }
0xa3: {  	[sflag:s23] =	ssyncadd.s32 s7;
	_ =	sdelay $0x1  }
0xa4: {  	s24 =	simm.s32 $0x1B8B  }
0xa5: {  	_ =	swait.ge [sflag:s24], $0x1  }
0xa6: {  	[sflag:s24] =	ssyncset.done $0x0  }
0xa7: {  	s25 =	simm.s32 $0x1B8E;
	[sflag:s24] =	ssyncadd.s32 $0xFFFFFFFF  }
0xa8: {  	s26 =	simm.s32 $execute0_lowered;
	[smem:$0x3FD2] =	sst s25  }
0xa9: {  	s7 =	sshll.u32 s26, $0x1;
	_ =	strace $0x80000046;
	[dreg:$0x1] =	wrdreg $0xFFFFFFFF  }
0xaa: {  	s28 =	simm.s32 $_size_execute0_lowered;
	s6 =	sadd.s32 s6, s7;
	[dreg:$0x0] =	wrdreg $0x0  }
0xab: {  	s7 =	sshll.u32 s28, $0x1;
	[dreg:$0x2] =	wrdreg s6  }
0xac: {  	[dreg:$0x3] =	wrdreg s7  }
0xad: {  	[dreg:$0x4] =	wrdreg $0xC0  }
0xae: {  	_ =	task [dreg:s10], $0x5FFFF  }
0xaf: {  	[dreg:$0x1] =	wrdreg $0xFFFFFFFF  }
0xb0: {  	[dreg:$0x0] =	wrdreg $0x60  }
0xb1: {  	[dreg:$0x2] =	wrdreg s2  }
0xb2: {  	[dreg:$0x3] =	wrdreg s19  }
0xb3: {  	[dreg:$0x4] =	wrdreg s4  }
0xb4: {  	[dreg:$0x5] =	wrdreg s5  }
0xb5: {  	[dreg:$0x6] =	wrdreg $0x4000  }
0xb6: {  	[dreg:$0x7] =	wrdreg $0x9  }
0xb7: {  	_ =	task.clear_ibuf [dreg:s10], $0x8FFFF;
	_ =	strace $0x90000046  }
0xb8: {  	s29 =	simm.s32 $0x9;
	_ =	strace $0x80000048  }
0xb9: {  	_ =	swait.ge [sflag:s29], $0x1  }
0xba: {  	[sflag:s29] =	ssyncadd.s32 $0xFFFFFFFF  }
0xbb: {  	_ =	strace $0x90000048  }
0xbc: {  	_ =	sfence  }
0xbd: {  	s30 =	sld [smem:$0x0];
	_ =	sdelay $0x2  }
0xbe: {  	s31 =	sshll.u32 s1, $0xD;
	s1 =	sshrl.u32 s1, $0x2  }
0xbf: {  	s3 =	sand.u32 $0x4000, s31;
	s1 =	sadd.s32 s1, s30  }
0xc0: {  	s0 =	sor.u32 s3, s0;
	s1 =	sshll.u32 s1, $0x11  }
0xc1: {  	s0 =	sor.u32 s1, s0  }
0xc2: {  	s0 =	sadd.s32 $0x8F2B, s0  }
0xc3: {  	[sflag:s0] =	ssyncadd.remote.s32 $0x1  }
0xc4: {  	_ =	sfence.sel $0xFFFF  }
0xc5: {  	[dreg:$0x0] =	wrdreg $0xFFFFFFFF;
	(pc) =	sbr.abs _section_cstart, $3  }
0xc6: {  	[dreg:$0x1] =	wrdreg $0xFFFFFFFF  }
0xc7: {  	_ =	task.clear_ibuf [dreg:s10], $0x2FFFF;
	_ =	strace $0x9FFFFFFF  }
0xc8: {  	(tm) =	ssettm $0x7FFFFFFF  }
0xc9: {  	_ =	shalt  }
tec
execute0_lowered:
.L_overlay_start_1:
0x0: {  	(tag) =	ssettag $0x1  }
0x1: {  	s1 =	rddreg [dreg:$0x0]  }
0x2: {  	s2 =	rddreg [dreg:$0x1]  }
0x3: {  	s7 =	rddreg [dreg:$0x2]  }
0x4: {  	s8 =	rddreg [dreg:$0x3]  }
0x5: {  	s4 =	rddreg [dreg:$0x4]  }
0x6: {  	s0 =	rddreg [dreg:$0x5]  }
0x7: {  	s6 =	srdreg.scid;
	s3 =	stileid.u32  }
0x8: {  	s5 =	simm.s32 $0x0;
	s16 =	simm.s32 $0x80;
	s17 =	simm.s32 $0x400  }
0x9: {  	s18 =	simm.s32 $0x20;
	s19 =	simm.s32 $0x10;
	s29 =	smul.u32 $0x280, s3  }
0xa: {  	s20 =	simm.s32 $0x0;
	s11 =	sand.u32 $0x1, s6;
	s10 =	smul.u32 $0x500, s3  }
0xb: {  	[smem:$0x7FF] =	sst s5;
	s6 =	smul.u32 $0x5000, s3;
	s14 =	sshll.u32 s3, $0x6  }
0xc: {  	s9 =	ssub.s32 $0x2, s11;
	_ =	strace $0x80000047;
	s13 =	sshll.u32 s11, $0x7  }
0xd: {  	s14 =	sor.u32 $0x1C01, s14;
	s12 =	sshrl.u32 s9, $0x1;
	s15 =	sadd.s32 s29, s4  }
0xe: {  	s30 =	sor.u32 s13, s10;
	s31 =	sshrl.u32 s29, $0x3;
	s13 =	simm.s32 $0x1  }
0xf: {  	s12 =	ssub.s32 s9, s12;
	s9 =	sshrl.u32 s30, $0x3;
	s7 =	sadd.s32 s7, s31  }
0x10: {  	s15 =	sshrl.u32 s15, $0x3;
	s8 =	sadd.s32 s8, s9;
	s9 =	smul.u32 $0xA00, s11  }
0x11: {  	s10 =	smax.u32 s12, $0x1;
	s11 =	smul.u32 $0x2800, s11;
	s12 =	simm.s32 $0x200  }
.LBB2_1:
0x12: {  	[tilespmem:s12], [sflag:$0x1] =	stream.linear.gather [hbm4b:s2+s5], $0x200, $0x38;
	[tilespmem:$0x680] =	vst v63  }
0x13: {  	_ =	swait.ge [sflag:s13], $0x200  }
0x14: {  	[sflag:s13] =	ssyncset.done $0x0  }
0x15: {  	s22 =	sadd.s32 $0x0, s9;
	s21 =	sand.u32 $0x7000, s11;
	[sflag:s13] =	ssyncadd.s32 $0xFFFFFE00  }
0x16: {  	[spmem:s15], [sflag:s14] =	dma.local [hbm:s7], $0x50  }
0x17: {  	s22 =	sand.u32 $0x380, s22;
	s21 =	sadd.s32 s6, s21;
	_ =	swait.ge [sflag:s13], $0x50  }
0x18: {  	s21 =	sor.u32 s22, s21;
	[sflag:s13] =	ssyncset.done $0x0  }
0x19: {  	s21 =	sshrl.u32 s21, $0x3;
	[sflag:s13] =	ssyncadd.s32 $0xFFFFFFB0  }
0x1a: {  	s21 =	sadd.s32 s1, s21;
	[bflag:$0x0] =	sbarrier.arrive $0xFFFF  }
0x1b: {  	[tilespmem:s5], [sflag:$0x1] =	stream.strided.gather [hbm4b:s21+s16], $0x200, s17, s16, $0x38;
	[tilespmem:$0x680] =	vst v63  }
0x1c: {  	_ =	swait.ge [sflag:s13], $0x200  }
0x1d: {  	s21 =	sadd.s32 $0x200, s11;
	[sflag:s13] =	ssyncset.done $0x0  }
0x1e: {  	s23 =	sadd.s32 $0x80, s9;
	s31 =	sand.u32 $0x7000, s21;
	[sflag:s13] =	ssyncadd.s32 $0xFFFFFE00  }
0x1f: {  	[spmem:s4] =	stream.indirect.scatter.add.f32 [tilespmem:s12], [sflag:$0x1], $0x1, s5, s12, $0xb8;
	[tilespmem:$0x680] =	vst v63  }
0x20: {  	s23 =	sand.u32 $0x380, s23;
	s24 =	sadd.s32 s6, s31;
	_ =	swait.ge [sflag:s13], $0x200  }
0x21: {  	s22 =	simm.s32 $0x100;
	s23 =	sor.u32 s23, s24;
	[sflag:s13] =	ssyncset.done $0x0  }
.LBB2_2:
0x22: {  	s23 =	sshrl.u32 s23, $0x3  }
0x23: {  	[sflag:s13] =	ssyncadd.s32 $0xFFFFFE00;
	s24 =	smov.u32 s22;
	s25 =	sadd.s32 $0x80, s22  }
0x24: {  	p0 =	sne.s32 s22, $0x980;
	s22 =	sadd.s32 s1, s23  }
0x25: {  	[tilespmem:s5], [sflag:$0x1] =	stream.strided.gather [hbm4b:s22+s16], $0x200, s17, s16, $0x38;
	[tilespmem:$0x680] =	vst v63  }
0x26: {  	_ =	swait.ge [sflag:s13], $0x200  }
.Ltmp0:
0x27: {  	s21 =	sadd.s32 $0x200, s21;
	[sflag:s13] =	ssyncset.done $0x0;
	(pc) =	sbr.rel @p0 .LBB2_2-.Ltmp0, $4  }
0x28: {  	s23 =	sadd.s32 s24, s9;
	s22 =	sand.u32 $0x7000, s21;
	[sflag:s13] =	ssyncadd.s32 $0xFFFFFE00  }
0x29: {  	[spmem:s4] =	stream.indirect.scatter.add.f32 [tilespmem:s12], [sflag:$0x1], $0x1, s5, s12, $0xb8;
	[tilespmem:$0x680] =	vst v63  }
0x2a: {  	s23 =	sand.u32 $0x380, s23;
	s22 =	sadd.s32 s6, s22;
	_ =	swait.ge [sflag:s13], $0x200  }
0x2b: {  	s23 =	sor.u32 s23, s22;
	s22 =	smov.u32 s25;
	[sflag:s13] =	ssyncset.done $0x0  }
0x2c: {  	s21 =	sshrl.u32 s23, $0x3  }
0x2d: {  	[sflag:s13] =	ssyncadd.s32 $0xFFFFFE00;
	s21 =	sadd.s32 s1, s21  }
0x2e: {  	[tilespmem:s5], [sflag:$0x1] =	stream.strided.gather [hbm4b:s21+s16], $0x200, s17, s16, $0x38;
	[tilespmem:$0x680] =	vst v63  }
0x2f: {  	_ =	swait.ge [sflag:s13], $0x200  }
0x30: {  	[sflag:s13] =	ssyncset.done $0x0  }
0x31: {  	[sflag:s13] =	ssyncadd.s32 $0xFFFFFE00  }
0x32: {  	[spmem:s4] =	stream.indirect.scatter.add.f32 [tilespmem:s12], [sflag:$0x1], $0x1, s5, s12, $0xb8;
	[tilespmem:$0x680] =	vst v63  }
0x33: {  	_ =	swait.ge [sflag:s13], $0x200  }
0x34: {  	s20 =	sadd.s32 $0x1, s20;
	[sflag:s13] =	ssyncset.done $0x0  }
0x35: {  	p0 =	sne.s32 s20, s10;
	[sflag:s13] =	ssyncadd.s32 $0xFFFFFE00  }
.Ltmp1:
0x36: {  	[bflag:$0x0] =	sbarrier.arrive $0xFFFF;
	(pc) =	sbr.rel @p0 .LBB2_1-.Ltmp1, $4  }
0x37: {  	[hbm:s8@s18], [sflag:s14] =	dma.strided [spmem:s15@s19], $0x50, s13, $0x10   }
0x38: {  	_ =	swait.ge [sflag:s13], $0x50  }
0x39: {  	[sflag:s13] =	ssyncset.done $0x0  }
0x3a: {  	[sflag:s13] =	ssyncadd.s32 $0xFFFFFFB0  }
0x3b: {  	_ =	sfence.sel $0x180000  }
0x3c: {  	[bflag:$0x0] =	sbarrier.arrive $0xFFFF  }
0x3d: {  	p0 =	sne.s32 s3, $0x0;
	_ =	strace $0x90000047  }
0x3e: {  	s0 =	sadd.s32 @!p0 $0x100000, s0;
	[bflag:$0x2] =	sbarrier.arrive $0xFFFF  }
0x3f: {  	[sflag:s0] =	ssyncadd.tile.s32 @!p0 $0x1;
	_ =	shalt  }
.Lfunc_end2:
_tile_overlayer_lowered:
.L_overlay_start_2:
0x40: {  	(tag) =	ssettag $0x2  }
0x41: {  	s0 =	rddreg [dreg:$0x0];
	s2 =	stileid.u32  }
0x42: {  	s1 =	rddreg [dreg:$0x1];
	p0 =	sne.s32 s2, $0x0  }
0x43: {  	s3 =	rddreg [dreg:$0x2];
	[bflag:$0x3] =	sbarrier.arrive $0xFFFF;
	s2 =	simm.s32 @!p0 $0x1C01  }
0x44: {  	[timem:s3], [sflag:s2] =	dma.local @!p0 [hbm:s0], s1  }
0x45: {  	s0 =	simm.s32 @!p0 $0x1  }
0x46: {  	_ =	swait.ge @!p0 [sflag:s0], s1  }
0x47: {  	s1 =	ssub.s32 @!p0 $0x0, s1;
	[sflag:s0] =	ssyncset.done @!p0 $0x0  }
0x48: {  	[sflag:s0] =	ssyncadd.s32 @!p0 s1  }
0x49: {  	[bflag:$0x3] =	sbarrier.arrive $0xFFFF  }
0x4a: {  	_ =	shalt  }

</sc_bundles>
